<compile_context>
chip_gen: v7x
topology: tpu7x:2x2x1
jax: 0.10.2.dev20260603
libtpu: 0.0.44.dev20260713+nightly
codegen_flags: <defaults>
</compile_context>

<pallas_src>
import functools

import jax
import jax.numpy as jnp
from jax import lax
from jax.experimental import pallas as pl
from jax.experimental.pallas import tpu as pltpu
from jax.experimental.pallas import tpu_sc as plsc

_NHIDDEN = 128
_LANES = 16


def _sc_kernel(idx_hbm, emb_hbm, out_hbm, idx_v, rows_v, out_v):
    is_leader = (lax.axis_index("c") == 0) & (lax.axis_index("s") == 0)

    @pl.when(is_leader)
    def _():
        pltpu.sync_copy(idx_hbm, idx_v)
        pltpu.sync_copy(emb_hbm.at[idx_v], rows_v)

        acc = rows_v[0, pl.ds(0, _LANES)] * rows_v[1, pl.ds(0, _LANES)]
        for j in range(1, _NHIDDEN // _LANES):
            acc = acc + (rows_v[0, pl.ds(j * _LANES, _LANES)]
                         * rows_v[1, pl.ds(j * _LANES, _LANES)])
        lane = lax.iota(jnp.int32, _LANES)
        dnums = lax.GatherDimensionNumbers(
            offset_dims=(), collapsed_slice_dims=(0,), start_index_map=(0,))
        for shift in (8, 4, 2, 1):
            perm = jnp.bitwise_xor(lane, shift)
            acc = acc + lax.gather(
                acc, perm[:, None], dnums, slice_sizes=(1,),
                mode=lax.GatherScatterMode.PROMISE_IN_BOUNDS)
        s = acc

        t = jnp.exp(-jnp.abs(s))
        z = t / (2.0 + t)
        z2 = z * z
        log1p_t = 2.0 * z * (1.0 + z2 * (1.0 / 3.0 + z2 * (
            1.0 / 5.0 + z2 * (1.0 / 7.0 + z2 * (1.0 / 9.0)))))
        out_v[...] = jnp.minimum(s, 0.0) - log1p_t
        pltpu.sync_copy(out_v, out_hbm)


def kernel(x_, y_, embedding):
    idx = jnp.concatenate([x_, y_]).astype(jnp.int32)
    run = functools.partial(
        pl.kernel,
        mesh=plsc.VectorSubcoreMesh(core_axis_name="c", subcore_axis_name="s",
                                    num_cores=1),
        out_type=jax.ShapeDtypeStruct((_LANES,), jnp.float32),
        scratch_types=[
            pltpu.VMEM((2,), jnp.int32),
            pltpu.VMEM((2, _NHIDDEN), jnp.float32),
            pltpu.VMEM((_LANES,), jnp.float32),
        ],
        compiler_params=pltpu.CompilerParams(allow_input_fusion=[True, False]),
    )(_sc_kernel)
    out = run(idx, embedding)
    return out[0]

# --- scband reference (transcript-rebuilt; emitter-appended) ---
"""Pipeline reference for scband-classical-45500883534261 (READ-ONLY COPY).

The authoritative reference and input builder live on the scoring server;
editing this copy changes nothing except your own understanding.
"""

import jax, jax.numpy as jnp
import numpy as np

NWORDS = 1000
NHIDDEN = 128

def setup_inputs(seed: int = 0):
    key = jax.random.key(seed)
    k1, k2, k3 = jax.random.split(key, 3)
    x_ = jax.random.randint(k1, (1,), 0, NWORDS)
    y_ = jax.random.randint(k2, (1,), 0, NWORDS)
    embedding = jax.random.normal(k3, (NWORDS, NHIDDEN), dtype=jnp.float32)
    return {"x_": x_, "y_": y_, "embedding": embedding}

def reference(x_, y_, embedding):
    # xembed = self.embedding(x_); view to (nhidden,)
    xembed = jnp.take(embedding, x_, axis=0).reshape((NHIDDEN,))
    # yembed = self.embedding(y_); view (1,-1) then (nhidden,)
    yembed = jnp.take(embedding, y_, axis=0).reshape((1, -1)).reshape((NHIDDEN,))
    score = jnp.dot(xembed, yembed)
    log_probs = jax.nn.log_sigmoid(score)
    return log_probs

if __name__ == "__main__":
    import jax
    _d = setup_inputs()
    print(jax.jit(kernel)(*tuple(_d.values())))

</pallas_src>

<mosaic_0001>
#map = affine_map<(d0, d1) -> (0)>
#map1 = affine_map<(d0, d1) -> (0, 0)>
module attributes {stable_mosaic.version = 14 : i64} {
  func.func @_sc_kernel(%arg0: i32, %arg1: i32, %arg2: memref<2xi32, #tpu.memory_space<hbm>>, %arg3: memref<1000x128xf32, #tpu.memory_space<hbm>>, %arg4: memref<16xf32, #tpu.memory_space<hbm>>, %arg5: memref<2xi32, #tpu.memory_space<vmem>>, %arg6: memref<2x128xf32, #tpu.memory_space<vmem>>, %arg7: memref<16xf32, #tpu.memory_space<vmem>>) attributes {dimension_semantics = [#tpu.dimension_semantics<core_parallel>, #tpu.dimension_semantics<subcore_parallel>], iteration_bounds = array<i64: 1, 16>, scalar_prefetch = 0 : i64, scratch_operands = 3 : i64, tpu.core_type = #tpu.core_type<sc_vector_subcore>, window_params = [{transform_indices = #map}, {transform_indices = #map1}, {transform_indices = #map}]} {
    %eq3A = arith.constant 0 : i32
    %eq3A_0 = arith.cmpi eq, %arg0, %eq3A : i32
    %eq3A_1 = arith.constant 0 : i32
    %eq3A_2 = arith.cmpi eq, %arg1, %eq3A_1 : i32
    %and3A = arith.andi %eq3A_0, %eq3A_2 : i1
    %convert_element_type3A = arith.extui %and3A : i1 to i32
    %cond3A = arith.constant 0 : i32
    %cond3A_3 = arith.cmpi ne, %convert_element_type3A, %cond3A : i32
    scf.if %cond3A_3 {
      "tpu.region"() ({
        %run_scoped3A = tpu.sem_alloc : memref<!tpu.dma_semaphore, #tpu.memory_space<semaphore_mem>>
        tpu.enqueue_dma source(%arg2 : memref<2xi32, #tpu.memory_space<hbm>>) target(%arg5 : memref<2xi32, #tpu.memory_space<vmem>>) target_semaphore(%run_scoped3A : memref<!tpu.dma_semaphore, #tpu.memory_space<semaphore_mem>>)
        tpu.wait_dma2 semaphore(%run_scoped3A : memref<!tpu.dma_semaphore, #tpu.memory_space<semaphore_mem>>) src(%arg2 : memref<2xi32, #tpu.memory_space<hbm>>) dst(%arg5 : memref<2xi32, #tpu.memory_space<vmem>>)
        tpu.yield
      }) : () -> ()
      "tpu.region"() ({
        %run_scoped3A = tpu.sem_alloc : memref<!tpu.dma_semaphore, #tpu.memory_space<semaphore_mem>>
        %dma_start3A = arith.constant 0 : i32
        %dma_start3A_154 = arith.constant 0 : i32
        %dma_start3A_155 = tpu.memref_slice %arg3[%dma_start3A, %dma_start3A_154] : memref<1000x128xf32, #tpu.memory_space<hbm>> -> memref<1000x128xf32, #tpu.memory_space<hbm>>
        tpu.enqueue_indirect_dma source(%dma_start3A_155 : memref<1000x128xf32, #tpu.memory_space<hbm>>) target(%arg6 : memref<2x128xf32, #tpu.memory_space<vmem>>) offsets(%arg5 : memref<2xi32, #tpu.memory_space<vmem>>) semaphore(%run_scoped3A : memref<!tpu.dma_semaphore, #tpu.memory_space<semaphore_mem>>)
        %dma_wait3A = arith.constant 0 : i32
        %dma_wait3A_156 = arith.constant 0 : i32
        %dma_wait3A_157 = tpu.memref_slice %arg3[%dma_wait3A, %dma_wait3A_156] : memref<1000x128xf32, #tpu.memory_space<hbm>> -> memref<1000x128xf32, #tpu.memory_space<hbm>>
        tpu.wait_indirect_dma semaphore(%run_scoped3A : memref<!tpu.dma_semaphore, #tpu.memory_space<semaphore_mem>>) src(%dma_wait3A_157 : memref<1000x128xf32, #tpu.memory_space<hbm>>) dst(%arg6 : memref<2x128xf32, #tpu.memory_space<vmem>>)
        tpu.yield
      }) : () -> ()
      %get3A = arith.constant 0 : i32
      %get3A_4 = arith.index_cast %get3A : i32 to index
      %get3A_5 = arith.constant 0 : index
      %get3A_6 = tpu.vector_load %arg6[%get3A_4, %get3A_5] {strides = array<i32>} : memref<2x128xf32, #tpu.memory_space<vmem>>, vector<1x16xf32>,
      %get3A_7 = vector.shape_cast %get3A_6 : vector<1x16xf32> to vector<16xf32>
      %get3A_8 = arith.constant 1 : i32
      %get3A_9 = arith.index_cast %get3A_8 : i32 to index
      %get3A_10 = arith.constant 0 : index
      %get3A_11 = tpu.vector_load %arg6[%get3A_9, %get3A_10] {strides = array<i32>} : memref<2x128xf32, #tpu.memory_space<vmem>>, vector<1x16xf32>,
      %get3A_12 = vector.shape_cast %get3A_11 : vector<1x16xf32> to vector<16xf32>
      %mul3A = arith.mulf %get3A_7, %get3A_12 : vector<16xf32>
      %get3A_13 = arith.constant 0 : i32
      %get3A_14 = arith.index_cast %get3A_13 : i32 to index
      %get3A_15 = arith.constant 16 : index
      %get3A_16 = tpu.vector_load %arg6[%get3A_14, %get3A_15] {strides = array<i32>} : memref<2x128xf32, #tpu.memory_space<vmem>>, vector<1x16xf32>,
      %get3A_17 = vector.shape_cast %get3A_16 : vector<1x16xf32> to vector<16xf32>
      %get3A_18 = arith.constant 1 : i32
      %get3A_19 = arith.index_cast %get3A_18 : i32 to index
      %get3A_20 = arith.constant 16 : index
      %get3A_21 = tpu.vector_load %arg6[%get3A_19, %get3A_20] {strides = array<i32>} : memref<2x128xf32, #tpu.memory_space<vmem>>, vector<1x16xf32>,
      %get3A_22 = vector.shape_cast %get3A_21 : vector<1x16xf32> to vector<16xf32>
      %mul3A_23 = arith.mulf %get3A_17, %get3A_22 : vector<16xf32>
      %add3A = arith.addf %mul3A, %mul3A_23 : vector<16xf32>
      %get3A_24 = arith.constant 0 : i32
      %get3A_25 = arith.index_cast %get3A_24 : i32 to index
      %get3A_26 = arith.constant 32 : index
      %get3A_27 = tpu.vector_load %arg6[%get3A_25, %get3A_26] {strides = array<i32>} : memref<2x128xf32, #tpu.memory_space<vmem>>, vector<1x16xf32>,
      %get3A_28 = vector.shape_cast %get3A_27 : vector<1x16xf32> to vector<16xf32>
      %get3A_29 = arith.constant 1 : i32
      %get3A_30 = arith.index_cast %get3A_29 : i32 to index
      %get3A_31 = arith.constant 32 : index
      %get3A_32 = tpu.vector_load %arg6[%get3A_30, %get3A_31] {strides = array<i32>} : memref<2x128xf32, #tpu.memory_space<vmem>>, vector<1x16xf32>,
      %get3A_33 = vector.shape_cast %get3A_32 : vector<1x16xf32> to vector<16xf32>
      %mul3A_34 = arith.mulf %get3A_28, %get3A_33 : vector<16xf32>
      %add3A_35 = arith.addf %add3A, %mul3A_34 : vector<16xf32>
      %get3A_36 = arith.constant 0 : i32
      %get3A_37 = arith.index_cast %get3A_36 : i32 to index
      %get3A_38 = arith.constant 48 : index
      %get3A_39 = tpu.vector_load %arg6[%get3A_37, %get3A_38] {strides = array<i32>} : memref<2x128xf32, #tpu.memory_space<vmem>>, vector<1x16xf32>,
      %get3A_40 = vector.shape_cast %get3A_39 : vector<1x16xf32> to vector<16xf32>
      %get3A_41 = arith.constant 1 : i32
      %get3A_42 = arith.index_cast %get3A_41 : i32 to index
      %get3A_43 = arith.constant 48 : index
      %get3A_44 = tpu.vector_load %arg6[%get3A_42, %get3A_43] {strides = array<i32>} : memref<2x128xf32, #tpu.memory_space<vmem>>, vector<1x16xf32>,
      %get3A_45 = vector.shape_cast %get3A_44 : vector<1x16xf32> to vector<16xf32>
      %mul3A_46 = arith.mulf %get3A_40, %get3A_45 : vector<16xf32>
      %add3A_47 = arith.addf %add3A_35, %mul3A_46 : vector<16xf32>
      %get3A_48 = arith.constant 0 : i32
      %get3A_49 = arith.index_cast %get3A_48 : i32 to index
      %get3A_50 = arith.constant 64 : index
      %get3A_51 = tpu.vector_load %arg6[%get3A_49, %get3A_50] {strides = array<i32>} : memref<2x128xf32, #tpu.memory_space<vmem>>, vector<1x16xf32>,
      %get3A_52 = vector.shape_cast %get3A_51 : vector<1x16xf32> to vector<16xf32>
      %get3A_53 = arith.constant 1 : i32
      %get3A_54 = arith.index_cast %get3A_53 : i32 to index
      %get3A_55 = arith.constant 64 : index
      %get3A_56 = tpu.vector_load %arg6[%get3A_54, %get3A_55] {strides = array<i32>} : memref<2x128xf32, #tpu.memory_space<vmem>>, vector<1x16xf32>,
      %get3A_57 = vector.shape_cast %get3A_56 : vector<1x16xf32> to vector<16xf32>
      %mul3A_58 = arith.mulf %get3A_52, %get3A_57 : vector<16xf32>
      %add3A_59 = arith.addf %add3A_47, %mul3A_58 : vector<16xf32>
      %get3A_60 = arith.constant 0 : i32
      %get3A_61 = arith.index_cast %get3A_60 : i32 to index
      %get3A_62 = arith.constant 80 : index
      %get3A_63 = tpu.vector_load %arg6[%get3A_61, %get3A_62] {strides = array<i32>} : memref<2x128xf32, #tpu.memory_space<vmem>>, vector<1x16xf32>,
      %get3A_64 = vector.shape_cast %get3A_63 : vector<1x16xf32> to vector<16xf32>
      %get3A_65 = arith.constant 1 : i32
      %get3A_66 = arith.index_cast %get3A_65 : i32 to index
      %get3A_67 = arith.constant 80 : index
      %get3A_68 = tpu.vector_load %arg6[%get3A_66, %get3A_67] {strides = array<i32>} : memref<2x128xf32, #tpu.memory_space<vmem>>, vector<1x16xf32>,
      %get3A_69 = vector.shape_cast %get3A_68 : vector<1x16xf32> to vector<16xf32>
      %mul3A_70 = arith.mulf %get3A_64, %get3A_69 : vector<16xf32>
      %add3A_71 = arith.addf %add3A_59, %mul3A_70 : vector<16xf32>
      %get3A_72 = arith.constant 0 : i32
      %get3A_73 = arith.index_cast %get3A_72 : i32 to index
      %get3A_74 = arith.constant 96 : index
      %get3A_75 = tpu.vector_load %arg6[%get3A_73, %get3A_74] {strides = array<i32>} : memref<2x128xf32, #tpu.memory_space<vmem>>, vector<1x16xf32>,
      %get3A_76 = vector.shape_cast %get3A_75 : vector<1x16xf32> to vector<16xf32>
      %get3A_77 = arith.constant 1 : i32
      %get3A_78 = arith.index_cast %get3A_77 : i32 to index
      %get3A_79 = arith.constant 96 : index
      %get3A_80 = tpu.vector_load %arg6[%get3A_78, %get3A_79] {strides = array<i32>} : memref<2x128xf32, #tpu.memory_space<vmem>>, vector<1x16xf32>,
      %get3A_81 = vector.shape_cast %get3A_80 : vector<1x16xf32> to vector<16xf32>
      %mul3A_82 = arith.mulf %get3A_76, %get3A_81 : vector<16xf32>
      %add3A_83 = arith.addf %add3A_71, %mul3A_82 : vector<16xf32>
      %get3A_84 = arith.constant 0 : i32
      %get3A_85 = arith.index_cast %get3A_84 : i32 to index
      %get3A_86 = arith.constant 112 : index
      %get3A_87 = tpu.vector_load %arg6[%get3A_85, %get3A_86] {strides = array<i32>} : memref<2x128xf32, #tpu.memory_space<vmem>>, vector<1x16xf32>,
      %get3A_88 = vector.shape_cast %get3A_87 : vector<1x16xf32> to vector<16xf32>
      %get3A_89 = arith.constant 1 : i32
      %get3A_90 = arith.index_cast %get3A_89 : i32 to index
      %get3A_91 = arith.constant 112 : index
      %get3A_92 = tpu.vector_load %arg6[%get3A_90, %get3A_91] {strides = array<i32>} : memref<2x128xf32, #tpu.memory_space<vmem>>, vector<1x16xf32>,
      %get3A_93 = vector.shape_cast %get3A_92 : vector<1x16xf32> to vector<16xf32>
      %mul3A_94 = arith.mulf %get3A_88, %get3A_93 : vector<16xf32>
      %add3A_95 = arith.addf %add3A_83, %mul3A_94 : vector<16xf32>
      %iota3A = tpu.iota {dimensions = array<i32: 0>} : vector<16xi32>
      %xor3A = arith.constant 8 : i32
      %xor3A_96 = vector.broadcast %xor3A : i32 to vector<16xi32>
      %xor3A_97 = arith.xori %iota3A, %xor3A_96 : vector<16xi32>
      %broadcast_in_dim3A = vector.shape_cast %xor3A_97 : vector<16xi32> to vector<16x1xi32>
      %gather3A = vector.shape_cast %broadcast_in_dim3A : vector<16x1xi32> to vector<16xi32>
      %gather3A_98 = tpu.dynamic_gather %add3A_95[%gather3A] in [0] : vector<16xf32>, vector<16xi32> -> vector<16xf32>
      %add3A_99 = arith.addf %add3A_95, %gather3A_98 : vector<16xf32>
      %xor3A_100 = arith.constant 4 : i32
      %xor3A_101 = vector.broadcast %xor3A_100 : i32 to vector<16xi32>
      %xor3A_102 = arith.xori %iota3A, %xor3A_101 : vector<16xi32>
      %broadcast_in_dim3A_103 = vector.shape_cast %xor3A_102 : vector<16xi32> to vector<16x1xi32>
      %gather3A_104 = vector.shape_cast %broadcast_in_dim3A_103 : vector<16x1xi32> to vector<16xi32>
      %gather3A_105 = tpu.dynamic_gather %add3A_99[%gather3A_104] in [0] : vector<16xf32>, vector<16xi32> -> vector<16xf32>
      %add3A_106 = arith.addf %add3A_99, %gather3A_105 : vector<16xf32>
      %xor3A_107 = arith.constant 2 : i32
      %xor3A_108 = vector.broadcast %xor3A_107 : i32 to vector<16xi32>
      %xor3A_109 = arith.xori %iota3A, %xor3A_108 : vector<16xi32>
      %broadcast_in_dim3A_110 = vector.shape_cast %xor3A_109 : vector<16xi32> to vector<16x1xi32>
      %gather3A_111 = vector.shape_cast %broadcast_in_dim3A_110 : vector<16x1xi32> to vector<16xi32>
      %gather3A_112 = tpu.dynamic_gather %add3A_106[%gather3A_111] in [0] : vector<16xf32>, vector<16xi32> -> vector<16xf32>
      %add3A_113 = arith.addf %add3A_106, %gather3A_112 : vector<16xf32>
      %xor3A_114 = arith.constant 1 : i32
      %xor3A_115 = vector.broadcast %xor3A_114 : i32 to vector<16xi32>
      %xor3A_116 = arith.xori %iota3A, %xor3A_115 : vector<16xi32>
      %broadcast_in_dim3A_117 = vector.shape_cast %xor3A_116 : vector<16xi32> to vector<16x1xi32>
      %gather3A_118 = vector.shape_cast %broadcast_in_dim3A_117 : vector<16x1xi32> to vector<16xi32>
      %gather3A_119 = tpu.dynamic_gather %add3A_113[%gather3A_118] in [0] : vector<16xf32>, vector<16xi32> -> vector<16xf32>
      %add3A_120 = arith.addf %add3A_113, %gather3A_119 : vector<16xf32>
      %abs3A = math.absf %add3A_120 : vector<16xf32>
      %neg3A = arith.constant 0.000000e+00 : f32
      %neg3A_121 = vector.broadcast %neg3A : f32 to vector<16xf32>
      %neg3A_122 = arith.subf %neg3A_121, %abs3A : vector<16xf32>
      %exp3A = math.exp %neg3A_122 : vector<16xf32>
      %add3A_123 = arith.constant 2.000000e+00 : f32
      %add3A_124 = vector.broadcast %add3A_123 : f32 to vector<16xf32>
      %add3A_125 = arith.addf %add3A_124, %exp3A : vector<16xf32>
      %div3A = arith.divf %exp3A, %add3A_125 : vector<16xf32>
      %mul3A_126 = arith.mulf %div3A, %div3A : vector<16xf32>
      %mul3A_127 = arith.constant 2.000000e+00 : f32
      %mul3A_128 = vector.broadcast %mul3A_127 : f32 to vector<16xf32>
      %mul3A_129 = arith.mulf %mul3A_128, %div3A : vector<16xf32>
      %mul3A_130 = arith.constant 0.111111112 : f32
      %mul3A_131 = vector.broadcast %mul3A_130 : f32 to vector<16xf32>
      %mul3A_132 = arith.mulf %mul3A_126, %mul3A_131 : vector<16xf32>
      %add3A_133 = arith.constant 0.142857149 : f32
      %add3A_134 = vector.broadcast %add3A_133 : f32 to vector<16xf32>
      %add3A_135 = arith.addf %add3A_134, %mul3A_132 : vector<16xf32>
      %mul3A_136 = arith.mulf %mul3A_126, %add3A_135 : vector<16xf32>
      %add3A_137 = arith.constant 2.000000e-01 : f32
      %add3A_138 = vector.broadcast %add3A_137 : f32 to vector<16xf32>
      %add3A_139 = arith.addf %add3A_138, %mul3A_136 : vector<16xf32>
      %mul3A_140 = arith.mulf %mul3A_126, %add3A_139 : vector<16xf32>
      %add3A_141 = arith.constant 0.333333343 : f32
      %add3A_142 = vector.broadcast %add3A_141 : f32 to vector<16xf32>
      %add3A_143 = arith.addf %add3A_142, %mul3A_140 : vector<16xf32>
      %mul3A_144 = arith.mulf %mul3A_126, %add3A_143 : vector<16xf32>
      %add3A_145 = arith.constant 1.000000e+00 : f32
      %add3A_146 = vector.broadcast %add3A_145 : f32 to vector<16xf32>
      %add3A_147 = arith.addf %add3A_146, %mul3A_144 : vector<16xf32>
      %mul3A_148 = arith.mulf %mul3A_129, %add3A_147 : vector<16xf32>
      %min3A = arith.constant 0.000000e+00 : f32
      %min3A_149 = vector.broadcast %min3A : f32 to vector<16xf32>
      %min3A_150 = arith.minimumf %add3A_120, %min3A_149 : vector<16xf32>
      %sub3A = arith.subf %min3A_150, %mul3A_148 : vector<16xf32>
      %swap3A = arith.constant 0 : index
      %swap3A_151 = tpu.vector_load %arg7[%swap3A] {strides = array<i32>} : memref<16xf32, #tpu.memory_space<vmem>>, vector<16xf32>,
      %swap3A_152 = vector.shape_cast %swap3A_151 : vector<16xf32> to vector<16xf32>
      %swap3A_153 = vector.shape_cast %sub3A : vector<16xf32> to vector<16xf32>
      tpu.vector_store %arg7[%swap3A], %swap3A_153 {strides = array<i32>} : memref<16xf32, #tpu.memory_space<vmem>>, vector<16xf32>,
      "tpu.region"() ({
        %run_scoped3A = tpu.sem_alloc : memref<!tpu.dma_semaphore, #tpu.memory_space<semaphore_mem>>
        tpu.enqueue_dma source(%arg7 : memref<16xf32, #tpu.memory_space<vmem>>) target(%arg4 : memref<16xf32, #tpu.memory_space<hbm>>) target_semaphore(%run_scoped3A : memref<!tpu.dma_semaphore, #tpu.memory_space<semaphore_mem>>)
        tpu.wait_dma2 semaphore(%run_scoped3A : memref<!tpu.dma_semaphore, #tpu.memory_space<semaphore_mem>>) src(%arg7 : memref<16xf32, #tpu.memory_space<vmem>>) dst(%arg4 : memref<16xf32, #tpu.memory_space<hbm>>)
        tpu.yield
      }) : () -> ()
    } else {
    }
    return
  }
}

</mosaic_0001>

<sc_bundles>
// kernel: kernel.3.cloned.1.call-start
scs
__scs_entry_jumppad:
0x0: {  	(pc) =	sbr.rel $0x88, $3  }
0x1: {  	(tag) =	ssettag $0x0;
	lr =	simm.s32 $0x1  }
0x2: {  	[smem:$0x3F9E] =	sst lr;
	_ =	strace $0xD0000000  }
0x3: {  	_ = 	snop  }
0x4: {  	_ = 	snop  }
0x5: {  	_ = 	snop  }
0x6: {  	_ = 	snop  }
0x7: {  	_ = 	snop  }
__scs_overlays_trampoline_lowered:
0x8: {  	[smem:$0x3FAD] =	sst s0  }
0x9: {  	[smem:$0x3FAE] =	sst s1  }
0xa: {  	[smem:$0x3FAF] =	sst s2  }
0xb: {  	[smem:$0x3FB0] =	sst s3  }
0xc: {  	[smem:$0x3FB1] =	sst s4  }
0xd: {  	[smem:$0x3FB2] =	sst s5  }
0xe: {  	[smem:$0x3FB3] =	sst s6  }
0xf: {  	[smem:$0x3FB4] =	sst s7  }
0x10: {  	[smem:$0x3FB5] =	sst s8  }
0x11: {  	[smem:$0x3FB6] =	sst s9;
	s0 =	simm.s32 @!p0 $0x0  }
0x12: {  	s1 =	sld [smem:$0x3F9C];
	s0 =	simm.s32 @p0 $0x1  }
0x13: {  	[smem:$0x3FB7] =	sst s0;
	s0 =	simm.s32 @!p1 $0x0  }
0x14: {  	s2 =	sld [smem:$0x3F9B];
	s0 =	simm.s32 @p1 $0x1  }
0x15: {  	[smem:$0x3FB8] =	sst s0;
	s0 =	simm.s32 @!p2 $0x0  }
0x16: {  	s3 =	sld [smem:$0x3FDB];
	s0 =	simm.s32 @p2 $0x1  }
0x17: {  	s4 =	simm.s32 $0x1BF5;
	[smem:$0x3FBA] =	sst s0  }
0x18: {  	s0 =	sld [smem:$0x3F9D];
	_ =	swait.ge [sflag:s4], $0x0  }
0x19: {  	s7 =	sld [smem:$0x3F9E]  }
0x1a: {  	s8 =	sadd.s32 $0xFFFFE003, lr  }
0x1b: {  	s9 =	sadd.s32 $0xFFFFFEF7, lr;
	s5 =	simm.s32 $0xFFFFFFFF;
	p2 =	slt.u32 s8, $0xFFFFF086  }
0x1c: {  	p1 =	slt.u32 s9, $0xF7A;
	s5 =	simm.s32 @!p2 $0x0  }
0x1d: {  	s5 =	simm.s32 @p1 $0x1;
	p0 =	seq.s32 s7, s2  }
0x1e: {  	s7 =	smul.u32 @!p0 $0xF7A, s2;
	p2 =	seq.s32 @!p0 s5, $0x0  }
0x1f: {  	s9 =	smul.u32 $0xF7A, s1;
	s8 =	simm.s32 @!p0 $0x1BF5;
	p2 =	por !p2, p0  }
0x20: {  	[sflag:s8] =	ssyncset.s32 @!p0 $0xFFFFF086;
	s6 =	sadd.s32 @!p0 s3, s7;
	s7 =	simm.s32 @!p0 $0x108  }
0x21: {  	s3 =	sadd.s32 s3, s9;
	s6 =	sadd.s32 @!p0 $0x88, s6;
	s7 =	simm.s32 @p2 $0x1082  }
0x22: {  	[simem:s7], [sflag:s8] =	dma.local @!p0 [hbm:s6], $0xF7A  }
0x23: {  	s9 =	sor.u32 $0xD0000000, s2;
	s6 =	simm.s32 $0x108;
	_ =	swait.ge @!p0 [sflag:s8], $0x0  }
0x24: {  	s3 =	sadd.s32 $0x88, s3;
	s6 =	simm.s32 @!p1 $0x1082;
	[sflag:s4] =	ssyncset.s32 $0xFFFFF086  }
0x25: {  	[simem:s6], [sflag:s4] =	dma.local [hbm:s3], $0xF7A  }
0x26: {  	[smem:$0x3F9E] =	sst s1;
	(tag) =	ssettag s2;
	_ =	strace s9  }
0x27: {  	s1 =	sld [smem:$0x3FAE]  }
0x28: {  	s2 =	sld [smem:$0x3FAF]  }
0x29: {  	s4 =	sld [smem:$0x3FB1]  }
0x2a: {  	p0 =	seq.s32 s5, $0x0;
	s5 =	sld [smem:$0x3FB2]  }
0x2b: {  	s6 =	sld [smem:$0x3FB3]  }
0x2c: {  	s7 =	sld [smem:$0x3FB4]  }
0x2d: {  	s3 =	simm.s32 $0x108;
	s8 =	sld [smem:$0x3FB5]  }
0x2e: {  	s3 =	simm.s32 @!p0 $0x1082;
	s9 =	sld [smem:$0x3FB6]  }
0x2f: {  	lr =	sadd.s32 s0, s3;
	s0 =	sld [smem:$0x3FAD]  }
0x30: {  	s3 =	sld [smem:$0x3FB0]  }
0x31: {  	[smem:$0x3FB9] =	sst s10  }
0x32: {  	s10 =	sld [smem:$0x3FB7];
	_ =	sdelay $0x3  }
0x33: {  	p0 =	seq.s32 s10, $0x1;
	s10 =	sld [smem:$0x3FB9];
	_ =	sdelay $0x3  }
0x34: {  	[smem:$0x3FB9] =	sst s10  }
0x35: {  	s10 =	sld [smem:$0x3FB8];
	_ =	sdelay $0x3  }
0x36: {  	p1 =	seq.s32 s10, $0x1;
	s10 =	sld [smem:$0x3FB9];
	_ =	sdelay $0x3  }
0x37: {  	[smem:$0x3FB9] =	sst s10  }
0x38: {  	s10 =	sld [smem:$0x3FBA]  }
0x39: {  	_ = 	snop;
	(pc) =	sbr.ind lr, $3  }
0x3a: {  	_ = 	snop  }
0x3b: {  	_ = 	snop  }
0x3c: {  	p2 =	seq.s32 s10, $0x1;
	s10 =	sld [smem:$0x3FB9]  }
0x3d: {  	_ =	shalt  }
0x3e: {  	_ =	shalt  }
0x3f: {  	_ =	shalt  }
0x40: {  	_ =	shalt  }
0x41: {  	_ =	shalt  }
0x42: {  	_ =	shalt  }
0x43: {  	_ =	shalt  }
0x44: {  	_ =	shalt  }
0x45: {  	_ =	shalt  }
0x46: {  	_ =	shalt  }
0x47: {  	_ =	shalt  }
0x48: {  	_ =	shalt  }
0x49: {  	_ =	shalt  }
0x4a: {  	_ =	shalt  }
0x4b: {  	_ =	shalt  }
0x4c: {  	_ =	shalt  }
0x4d: {  	_ =	shalt  }
0x4e: {  	_ =	shalt  }
0x4f: {  	_ =	shalt  }
0x50: {  	_ =	shalt  }
0x51: {  	_ =	shalt  }
0x52: {  	_ =	shalt  }
0x53: {  	_ =	shalt  }
0x54: {  	_ =	shalt  }
0x55: {  	_ =	shalt  }
0x56: {  	_ =	shalt  }
0x57: {  	_ =	shalt  }
0x58: {  	_ =	shalt  }
0x59: {  	_ =	shalt  }
0x5a: {  	_ =	shalt  }
0x5b: {  	_ =	shalt  }
0x5c: {  	_ =	shalt  }
0x5d: {  	_ =	shalt  }
0x5e: {  	_ =	shalt  }
0x5f: {  	_ =	shalt  }
0x60: {  	_ =	shalt  }
0x61: {  	_ =	shalt  }
0x62: {  	_ =	shalt  }
0x63: {  	_ =	shalt  }
0x64: {  	_ =	shalt  }
0x65: {  	_ =	shalt  }
0x66: {  	_ =	shalt  }
0x67: {  	_ =	shalt  }
0x68: {  	_ =	shalt  }
0x69: {  	_ =	shalt  }
0x6a: {  	_ =	shalt  }
0x6b: {  	_ =	shalt  }
0x6c: {  	_ =	shalt  }
0x6d: {  	_ =	shalt  }
0x6e: {  	_ =	shalt  }
0x6f: {  	_ =	shalt  }
0x70: {  	_ =	shalt  }
0x71: {  	_ =	shalt  }
0x72: {  	_ =	shalt  }
0x73: {  	_ =	shalt  }
0x74: {  	_ =	shalt  }
0x75: {  	_ =	shalt  }
0x76: {  	_ =	shalt  }
0x77: {  	_ =	shalt  }
0x78: {  	_ =	shalt  }
0x79: {  	_ =	shalt  }
0x7a: {  	_ =	shalt  }
0x7b: {  	_ =	shalt  }
0x7c: {  	_ =	shalt  }
0x7d: {  	_ =	shalt  }
0x7e: {  	_ =	shalt  }
0x7f: {  	_ =	shalt  }
0x80: {  	_ =	shalt  }
0x81: {  	_ =	shalt  }
0x82: {  	_ =	shalt  }
0x83: {  	_ =	shalt  }
0x84: {  	_ =	shalt  }
0x85: {  	_ =	shalt  }
0x86: {  	_ =	shalt  }
0x87: {  	_ =	shalt  }
.Lfunc_end0:
.L_simem_size_0:
called_computation_lowered:
.L_overlay_start_0:
0x88: {  	s0 =	sld [smem:$0x3FD9]  }
0x89: {  	s1 =	sld [smem:$0x3FFE];
	_ =	sdelay $0x3  }
0x8a: {  	s0 =	sadd.s32 s1, s0  }
0x8b: {  	[smem:$0x3FC5] =	sst s0  }
0x8c: {  	_ = 	snop  }
0x8d: {  	s0 =	sld [smem:$0x3FC7]  }
0x8e: {  	s16 =	sld [smem:$0x3FD0];
	(tm) =	ssettm $0x1  }
0x8f: {  	s2 =	sld [smem:$0x3FFB];
	_ =	sdelay $0x3  }
0x90: {  	_ =	strace s2  }
0x91: {  	s2 =	sld [smem:$0x3FFC];
	_ =	sdelay $0x3  }
0x92: {  	_ =	strace s2  }
0x93: {  	s2 =	sld [smem:$0x3FFD];
	_ =	sdelay $0x3  }
0x94: {  	_ =	strace s2  }
0x95: {  	_ =	strace $0x8FFFFFFF  }
0x96: {  	s17 =	sld [smem:$0x3FDB];
	_ =	sdelay $0x1  }
0x97: {  	s3 =	simm.s32 $_scs_section_size  }
0x98: {  	s4 =	simm.s32 $_size__tile_overlayer_lowered;
	s5 =	simm.s32 $_tile_overlayer_lowered  }
0x99: {  	s20 =	simm.s32 $0x1BFF;
	s19 =	sshll.u32 s5, $0x1;
	s2 =	sadd.s32 s3, s17  }
0x9a: {  	s6 =	simm.s32 $0x0;
	s18 =	sshll.u32 s4, $0x1;
	s4 =	sadd.s32 s19, s2  }
0x9b: {  	[timem:s6], [sflag:s20] =	dma.local [hbm:s4], s18  }
0x9c: {  	_ =	swait.ge [sflag:s20], s18  }
0x9d: {  	s3 =	ssub.s32 $0x0, s18;
	[sflag:s20] =	ssyncset.done $0x0  }
0x9e: {  	[sflag:s20] =	ssyncadd.s32 s3;
	_ =	sdelay $0x1  }
0x9f: {  	s21 =	simm.s32 $0x1B8B  }
0xa0: {  	_ =	swait.ge [sflag:s21], $0x1  }
0xa1: {  	[sflag:s21] =	ssyncset.done $0x0  }
0xa2: {  	s23 =	simm.s32 $0x1B8E;
	s22 =	sld [smem:$0x3FFE];
	[sflag:s21] =	ssyncadd.s32 $0xFFFFFFFF  }
0xa3: {  	s24 =	simm.s32 $execute0_lowered;
	[smem:$0x3FD2] =	sst s23  }
0xa4: {  	s4 =	sshll.u32 s24, $0x1;
	_ =	strace $0x80000046;
	[dreg:$0x1] =	wrdreg $0xFFFFFFFF  }
0xa5: {  	s25 =	simm.s32 $_size_execute0_lowered;
	s2 =	sadd.s32 s2, s4;
	[dreg:$0x0] =	wrdreg $0x0  }
0xa6: {  	s4 =	sshll.u32 s25, $0x1;
	[dreg:$0x2] =	wrdreg s2  }
0xa7: {  	[dreg:$0x3] =	wrdreg s4  }
0xa8: {  	[dreg:$0x4] =	wrdreg $0xC0  }
0xa9: {  	_ =	task [dreg:s6], $0x5FFFF  }
0xaa: {  	[dreg:$0x1] =	wrdreg $0xFFFFFFFF  }
0xab: {  	[dreg:$0x0] =	wrdreg $0x60  }
0xac: {  	[dreg:$0x2] =	wrdreg s22  }
0xad: {  	[dreg:$0x3] =	wrdreg s0  }
0xae: {  	[dreg:$0x4] =	wrdreg s16  }
0xaf: {  	[dreg:$0x5] =	wrdreg $0x9  }
0xb0: {  	_ =	task.clear_ibuf [dreg:s6], $0x6FFFF;
	_ =	strace $0x90000046  }
0xb1: {  	s26 =	simm.s32 $0x9;
	_ =	strace $0x80000048  }
0xb2: {  	_ =	swait.ge [sflag:s26], $0x1  }
0xb3: {  	[sflag:s26] =	ssyncadd.s32 $0xFFFFFFFF  }
0xb4: {  	_ =	strace $0x90000048  }
0xb5: {  	_ =	sfence  }
0xb6: {  	s28 =	sld [smem:$0x0];
	_ =	sdelay $0x1  }
0xb7: {  	s29 =	srdreg.scid  }
0xb8: {  	s30 =	sshll.u32 s29, $0xD;
	s31 =	sshrl.u32 s29, $0x2  }
0xb9: {  	s1 =	sand.u32 $0x1, s29;
	s2 =	sand.u32 $0x4000, s30;
	s0 =	sadd.s32 s31, s28  }
0xba: {  	s1 =	sor.u32 s2, s1;
	s0 =	sshll.u32 s0, $0x11  }
0xbb: {  	s0 =	sor.u32 s0, s1  }
0xbc: {  	s0 =	sadd.s32 $0x8F2B, s0  }
0xbd: {  	[sflag:s0] =	ssyncadd.remote.s32 $0x1  }
0xbe: {  	_ =	sfence.sel $0xFFFF  }
0xbf: {  	[dreg:$0x0] =	wrdreg $0xFFFFFFFF;
	(pc) =	sbr.abs _section_cstart, $3  }
0xc0: {  	[dreg:$0x1] =	wrdreg $0xFFFFFFFF  }
0xc1: {  	_ =	task.clear_ibuf [dreg:s6], $0x2FFFF;
	_ =	strace $0x9FFFFFFF  }
0xc2: {  	(tm) =	ssettm $0x7FFFFFFF  }
0xc3: {  	_ =	shalt  }
tec
execute0_lowered:
.L_overlay_start_1:
0x0: {  	(tag) =	ssettag $0x1  }
0x1: {  	s2 =	rddreg [dreg:$0x0]  }
0x2: {  	s4 =	rddreg [dreg:$0x1]  }
0x3: {  	s1 =	rddreg [dreg:$0x2];
	s3 =	stileid.u32  }
0x4: {  	s0 =	rddreg [dreg:$0x3];
	_ =	strace $0x80000047;
	p0 =	sne.s32 s3, $0x0  }
0x5: {  	_ =	sfence.sel @p0 $0x180000  }
0x6: {  	[bflag:$0x0] =	sbarrier.arrive @p0 $0xFFFF  }
0x7: {  	_ =	strace @p0 $0x90000047  }
0x8: {  	[bflag:$0x2] =	sbarrier.arrive @p0 $0xFFFF  }
0x9: {  	_ =	shalt @p0  }
.LBB2_1:
0xa: {  	s2 =	sadd.s32 $0x400, s2;
	s3 =	simm.s32 $0x0;
	s30 =	simm.s32 $0x1  }
0xb: {  	[tilespmem:s3], [sflag:$0x1] =	stream.linear.gather [hbm4b:s2+s3], $0x80, $0x38;
	[tilespmem:$0x200] =	vst v63  }
0xc: {  	_ =	swait.ge [sflag:s30], $0x80  }
0xd: {  	[sflag:s30] =	ssyncset.done $0x0  }
0xe: {  	s5 =	simm.s32 $0x2;
	s6 =	simm.s32 $0x80;
	[sflag:s30] =	ssyncadd.s32 $0xFFFFFF80  }
0xf: {  	[tilespmem:s6], [sflag:$0x1] =	stream.indirect.gather [hbm4b:s4+s5], $0x80, s3, s5, $0xb8;
	[tilespmem:$0x200] =	vst v63  }
0x10: {  	_ =	swait.ge [sflag:s30], $0x100  }
0x11: {  	[sflag:s30] =	ssyncset.done $0x0  }
0x12: {  	[sflag:s30] =	ssyncadd.s32 $0xFFFFFF00  }
0x13: {  	v0 =	vld [tilespmem:$0x80]  }
0x14: {  	v1 =	vld [tilespmem:$0x100]  }
0x15: {  	v2 =	vld [tilespmem:$0x90]  }
0x16: {  	v3 =	vld [tilespmem:$0x110]  }
0x17: {  	v4 =	vld [tilespmem:$0xA0]  }
0x18: {  	v5 =	vld [tilespmem:$0x120]  }
0x19: {  	v6 =	vld [tilespmem:$0xB0]  }
0x1a: {  	v7 =	vld [tilespmem:$0x130]  }
0x1b: {  	v38 =	vld [tilespmem:$0xC0];
	v0 =	vmul.f32 v1, v0;
	v37 =	vmul.f32 v3, v2  }
0x1c: {  	v39 =	vld [tilespmem:$0x140]  }
0x1d: {  	v41 =	vld [tilespmem:$0xD0];
	v40 =	vmul.f32 v5, v4;
	v0 =	vadd.f32 v37, v0  }
0x1e: {  	v42 =	vld [tilespmem:$0x150]  }
0x1f: {  	v44 =	vld [tilespmem:$0xE0];
	v43 =	vmul.f32 v7, v6;
	v0 =	vadd.f32 v40, v0  }
0x20: {  	v46 =	vld [tilespmem:$0x160]  }
0x21: {  	v47 =	vld [tilespmem:$0xF0];
	v45 =	vmul.f32 v39, v38;
	v0 =	vadd.f32 v43, v0  }
0x22: {  	v49 =	vld [tilespmem:$0x170]  }
0x23: {  	v50 =	vimm.s32 $0xFEDCBA98;
	v48 =	vmul.f32 v42, v41;
	v0 =	vadd.f32 v45, v0  }
0x24: {  	v51 =	vimm.s32 $0x76543210;
	v1 =	vunpack.c.l.s4.s8 v50  }
0x25: {  	v2 =	vmul.f32 v46, v44;
	v5 =	vunpack.c.l.s4.s8 v51;
	v0 =	vadd.f32 v48, v0  }
0x26: {  	v54 =	vimm.s32 $0xBA98FEDC;
	v55 =	vimm.s32 $0x32107654;
	v1 =	vunpack.c.0.s8.s32 v1  }
0x27: {  	v52 =	vmul.f32 v49, v47;
	v53 =	vunpack.c.0.s8.s32 v5;
	v0 =	vadd.f32 v2, v0  }
0x28: {  	v3 =	vunpack.c.l.s4.s8 v55;
	v1 =	vand.u32 $0xF, v1;
	v2 =	vunpack.c.l.s4.s8 v54  }
0x29: {  	v1 =	vcombine.low v1, v53;
	v0 =	vadd.f32 v52, v0  }
0x2a: {  	v3 =	vunpack.c.0.s8.s32 v3;
	v2 =	vunpack.c.0.s8.s32 v2  }
0x2b: {  	v1 =	vperm.xlane v0, v1  }
0x2c: {  	v57 =	vimm.s32 $0xDCFE98BA;
	v58 =	vimm.s32 $0x54761032;
	v56 =	vcombine.low v3, v2  }
0x2d: {  	v2 =	vunpack.c.l.s4.s8 v57;
	v3 =	vunpack.c.l.s4.s8 v58;
	v0 =	vadd.f32 v0, v1  }
0x2e: {  	v60 =	vimm.s32 $0x67452301  }
0x2f: {  	v2 =	vunpack.c.0.s8.s32 v2;
	v3 =	vunpack.c.0.s8.s32 v3;
	v1 =	vperm.xlane v0, v56  }
0x30: {  	v59 =	vimm.s32 $0xEFCDAB89;
	v61 =	vunpack.c.l.s4.s8 v60  }
0x31: {  	v2 =	vcombine.low v3, v2;
	v0 =	vadd.f32 v0, v1;
	v1 =	vunpack.c.l.s4.s8 v59;
	_ =	sdelay $0x1  }
0x32: {  	v3 =	vunpack.c.0.s8.s32 v61;
	v2 =	vperm.xlane v0, v2;
	v1 =	vunpack.c.0.s8.s32 v1;
	_ =	sdelay $0x1  }
0x33: {  	v0 =	vadd.f32 v0, v2;
	v1 =	vcombine.low v3, v1;
	_ =	sdelay $0x1  }
0x34: {  	v1 =	vperm.xlane v0, v1;
	_ =	sdelay $0x1  }
0x35: {  	v0 =	vadd.f32 v0, v1;
	_ =	sdelay $0x1  }
0x36: {  	v1 =	vand.u32 $0x7FFFFFFF, v0  }
0x37: {  	v1 =	vsub.f32 $0.0e+00, v1;
	_ =	sdelay $0x1  }
0x38: {  	v1 =	vmul.f32 $1.442695020e+00, v1;
	_ =	sdelay $0x1  }
0x39: {  	(erf) = vpow2.f32 v1;
	_ =	sdelay $0x8  }
0x3a: {  	v1 =	vpop (erf)  }
0x3b: {  	v62 =	vadd.f32 $2.000000000e+00, v1;
	_ =	sdelay $0x1  }
0x3c: {  	(erf) = vrcp.f32 v62;
	_ =	sdelay $0x8  }
0x3d: {  	v2 =	vpop (erf)  }
0x3e: {  	v1 =	vmul.f32 v2, v1;
	_ =	sdelay $0x1  }
0x3f: {  	v2 =	vmul.f32 v1, v1;
	_ =	sdelay $0x1  }
0x40: {  	v63 =	vmul.f32 $1.111111120e-01, v2;
	_ =	sdelay $0x1  }
0x41: {  	v3 =	vadd.f32 $1.428571490e-01, v63;
	_ =	sdelay $0x1  }
0x42: {  	v3 =	vmul.f32 v3, v2;
	_ =	sdelay $0x1  }
0x43: {  	v3 =	vadd.f32 $2.000000030e-01, v3;
	_ =	sdelay $0x1  }
0x44: {  	v3 =	vmul.f32 v3, v2;
	_ =	sdelay $0x1  }
0x45: {  	v3 =	vadd.f32 $3.333333430e-01, v3;
	_ =	sdelay $0x1  }
0x46: {  	v2 =	vmul.f32 v3, v2;
	_ =	sdelay $0x1  }
0x47: {  	v1 =	vadd.f32 v1, v1;
	v2 =	vadd.f32 $1.000000000e+00, v2;
	_ =	sdelay $0x1  }
0x48: {  	v1 =	vmul.f32 v2, v1  }
0x49: {  	v0 =	vmin.f32 v0, $0.0e+00  }
0x4a: {  	v0 =	vsub.f32 v0, v1;
	_ =	sdelay $0x1  }
0x4b: {  	s31 =	simm.s32 $0x180;
	[tilespmem:$0x180] =	vst v0  }
0x4c: {  	[hbm4b:s1+s3] =	stream.linear.scatter [tilespmem:s31], [sflag:$0x1], $0x80, $0x38;
	[tilespmem:$0x200] =	vst v63  }
0x4d: {  	_ =	swait.ge [sflag:s30], $0x80  }
0x4e: {  	[sflag:s30] =	ssyncset.done $0x0  }
0x4f: {  	[sflag:s30] =	ssyncadd.s32 $0xFFFFFF80  }
0x50: {  	_ =	sfence.sel $0x180000  }
0x51: {  	[bflag:$0x0] =	sbarrier.arrive $0xFFFF  }
0x52: {  	_ =	strace $0x90000047  }
0x53: {  	s0 =	sadd.s32 $0x100000, s0;
	[bflag:$0x2] =	sbarrier.arrive $0xFFFF  }
0x54: {  	[sflag:s0] =	ssyncadd.tile.s32 $0x1;
	_ =	shalt  }
.Lfunc_end2:
_tile_overlayer_lowered:
.L_overlay_start_2:
0x55: {  	(tag) =	ssettag $0x2  }
0x56: {  	s0 =	rddreg [dreg:$0x0];
	s2 =	stileid.u32  }
0x57: {  	s1 =	rddreg [dreg:$0x1];
	p0 =	sne.s32 s2, $0x0  }
0x58: {  	s3 =	rddreg [dreg:$0x2];
	[bflag:$0x3] =	sbarrier.arrive $0xFFFF;
	s2 =	simm.s32 @!p0 $0x1C01  }
0x59: {  	[timem:s3], [sflag:s2] =	dma.local @!p0 [hbm:s0], s1  }
0x5a: {  	s0 =	simm.s32 @!p0 $0x1  }
0x5b: {  	_ =	swait.ge @!p0 [sflag:s0], s1  }
0x5c: {  	s1 =	ssub.s32 @!p0 $0x0, s1;
	[sflag:s0] =	ssyncset.done @!p0 $0x0  }
0x5d: {  	[sflag:s0] =	ssyncadd.s32 @!p0 s1  }
0x5e: {  	[bflag:$0x3] =	sbarrier.arrive $0xFFFF  }
0x5f: {  	_ =	shalt  }

</sc_bundles>
